<compile_context>
chip_gen: v7x
topology: tpu7x:2x2x1
jax: 0.10.2.dev20260603
libtpu: 0.0.44.dev20260713+nightly
codegen_flags: <defaults>
</compile_context>

<pallas_src>
import jax
import jax.numpy as jnp
from jax.experimental import pallas as pl
from jax.experimental.pallas import tpu as pltpu

_NCLS = 15
_NCH = _NCLS + 5
_G = 52 * 52
_SCALE = 8.0


def _body(x_ref, o_ref):
    v = x_ref[0]
    xy = jax.nn.sigmoid(v[0:2]) * _SCALE
    wh = v[2:4] * _SCALE
    conf = jax.nn.sigmoid(v[4:5])
    logits = v[5:_NCH]
    m = jnp.max(logits, axis=0, keepdims=True)
    e = jnp.exp(logits - m)
    cls = e / jnp.sum(e, axis=0, keepdims=True)
    full = jnp.concatenate([xy, wh, conf, cls], axis=0)
    o_ref[0] = full.T


def kernel(x):
    nB = x.shape[0]
    v = x.reshape(nB * 3, _NCH, _G)
    out = pl.pallas_call(
        _body,
        grid=(nB * 3,),
        in_specs=[pl.BlockSpec((1, _NCH, _G), lambda i: (i, 0, 0))],
        out_specs=pl.BlockSpec((1, _G, _NCH), lambda i: (i, 0, 0)),
        out_shape=jax.ShapeDtypeStruct((nB * 3, _G, _NCH), jnp.float32),
        compiler_params=pltpu.CompilerParams(
            dimension_semantics=("parallel",),
        ),
    )(v)
    return out.reshape(nB, 3 * _G, _NCH)

# --- scband reference (transcript-rebuilt; emitter-appended) ---
"""Pipeline reference for scband-yololayer-11012296147525 (READ-ONLY COPY).

The authoritative reference and input builder live on the scoring server;
editing this copy changes nothing except your own understanding.
"""

import jax, jax.numpy as jnp
import numpy as np

SCALE = 8
NUM_CLASSES = 15

def setup_inputs(seed: int = 0) -> dict:
    key = jax.random.key(seed)
    x = jax.random.normal(key, (128, 3 * (NUM_CLASSES + 5), 52, 52), dtype=jnp.float32)
    return {"x": x}

def reference(x):
    nB = x.shape[0]
    nG = x.shape[2]
    # pred: [nB, 3, nG, nG, num_classes+5]
    pred = x.reshape(nB, 3, NUM_CLASSES + 5, nG, nG).transpose(0, 1, 3, 4, 2)
    px = jax.nn.sigmoid(pred[..., 0])
    py = jax.nn.sigmoid(pred[..., 1])
    pw = pred[..., 2]
    ph = pred[..., 3]
    conf = jax.nn.sigmoid(pred[..., 4])
    cls = jax.nn.softmax(pred[..., 5:], axis=4)
    pred_boxs = jnp.stack([px, py, pw, ph], axis=-1)
    out = jnp.concatenate([
        pred_boxs.reshape(nB, -1, 4) * SCALE,
        conf.reshape(nB, -1, 1),
        cls.reshape(nB, -1, NUM_CLASSES),
    ], axis=-1)
    return out

if __name__ == "__main__":
    import jax
    _d = setup_inputs()
    print(jax.jit(kernel)(*tuple(_d.values())))

</pallas_src>

<mosaic_0001>
module attributes {stable_mosaic.version = 14 : i64} {
  func.func @_body(%arg0: i32, %arg1: memref<1x20x2704xf32, #tpu.memory_space<vmem>>, %arg2: memref<1x2704x20xf32, #tpu.memory_space<vmem>>) attributes {dimension_semantics = [#tpu.dimension_semantics<parallel>], iteration_bounds = array<i64: 384>, scalar_prefetch = 0 : i64, scratch_operands = 0 : i64, tpu.core_type = #tpu.core_type<tc>, window_params = [{transform_indices = @transform_0, window_bounds = array<i64: 1, 20, 2704>}, {transform_indices = @transform_1, window_bounds = array<i64: 1, 2704, 20>}]} {
    %get3A = arith.constant 0 : index
    %get3A_0 = arith.constant 0 : index
    %get3A_1 = arith.constant 0 : index
    %get3A_2 = vector.load %arg1[%get3A, %get3A_0, %get3A_1] : memref<1x20x2704xf32, #tpu.memory_space<vmem>>, vector<1x20x2704xf32>
    %get3A_3 = vector.shape_cast %get3A_2 : vector<1x20x2704xf32> to vector<20x2704xf32>
    %slice3A = vector.extract_strided_slice %get3A_3 {offsets = [0, 0], sizes = [2, 2704], strides = [1, 1]} : vector<20x2704xf32> to vector<2x2704xf32>
    %logistic3A = arith.negf %slice3A : vector<2x2704xf32>
    %logistic3A_4 = math.exp %logistic3A : vector<2x2704xf32>
    %logistic3A_5 = arith.constant 1.000000e+00 : f32
    %logistic3A_6 = vector.broadcast %logistic3A_5 : f32 to vector<2x2704xf32>
    %logistic3A_7 = arith.addf %logistic3A_6, %logistic3A_4 : vector<2x2704xf32>
    %logistic3A_8 = arith.divf %logistic3A_6, %logistic3A_7 : vector<2x2704xf32>
    %mul3A = arith.constant 8.000000e+00 : f32
    %mul3A_9 = vector.broadcast %mul3A : f32 to vector<2x2704xf32>
    %mul3A_10 = arith.mulf %logistic3A_8, %mul3A_9 : vector<2x2704xf32>
    %slice3A_11 = vector.extract_strided_slice %get3A_3 {offsets = [2, 0], sizes = [2, 2704], strides = [1, 1]} : vector<20x2704xf32> to vector<2x2704xf32>
    %mul3A_12 = arith.constant 8.000000e+00 : f32
    %mul3A_13 = vector.broadcast %mul3A_12 : f32 to vector<2x2704xf32>
    %mul3A_14 = arith.mulf %slice3A_11, %mul3A_13 : vector<2x2704xf32>
    %slice3A_15 = vector.extract_strided_slice %get3A_3 {offsets = [4, 0], sizes = [1, 2704], strides = [1, 1]} : vector<20x2704xf32> to vector<1x2704xf32>
    %logistic3A_16 = arith.negf %slice3A_15 : vector<1x2704xf32>
    %logistic3A_17 = math.exp %logistic3A_16 : vector<1x2704xf32>
    %logistic3A_18 = arith.constant 1.000000e+00 : f32
    %logistic3A_19 = vector.broadcast %logistic3A_18 : f32 to vector<1x2704xf32>
    %logistic3A_20 = arith.addf %logistic3A_19, %logistic3A_17 : vector<1x2704xf32>
    %logistic3A_21 = arith.divf %logistic3A_19, %logistic3A_20 : vector<1x2704xf32>
    %slice3A_22 = vector.extract_strided_slice %get3A_3 {offsets = [5, 0], sizes = [15, 2704], strides = [1, 1]} : vector<20x2704xf32> to vector<15x2704xf32>
    %reduce_max3A = arith.constant dense<0xFF800000> : vector<2704xf32>
    %reduce_max3A_23 = vector.multi_reduction <maximumf>, %slice3A_22, %reduce_max3A [0] : vector<15x2704xf32> to vector<2704xf32>
    %broadcast_in_dim3A = vector.shape_cast %reduce_max3A_23 : vector<2704xf32> to vector<1x2704xf32>
    %sub3A = vector.broadcast %broadcast_in_dim3A : vector<1x2704xf32> to vector<15x2704xf32>
    %sub3A_24 = arith.subf %slice3A_22, %sub3A : vector<15x2704xf32>
    %exp3A = math.exp %sub3A_24 : vector<15x2704xf32>
    %reduce_sum3A = arith.constant dense<0.000000e+00> : vector<2704xf32>
    %reduce_sum3A_25 = vector.multi_reduction <add>, %exp3A, %reduce_sum3A [0] : vector<15x2704xf32> to vector<2704xf32>
    %broadcast_in_dim3A_26 = vector.shape_cast %reduce_sum3A_25 : vector<2704xf32> to vector<1x2704xf32>
    %div3A = vector.broadcast %broadcast_in_dim3A_26 : vector<1x2704xf32> to vector<15x2704xf32>
    %div3A_27 = arith.divf %exp3A, %div3A : vector<15x2704xf32>
    %concatenate3A = tpu.concatenate %mul3A_10, %mul3A_14, %logistic3A_21, %div3A_27 in 0 : vector<2x2704xf32>, vector<2x2704xf32>, vector<1x2704xf32>, vector<15x2704xf32> -> vector<20x2704xf32>
    %transpose3A = tpu.transpose %concatenate3A, [1, 0] : vector<20x2704xf32> -> vector<2704x20xf32>
    %swap3A = arith.constant 0 : index
    %swap3A_28 = arith.constant 0 : index
    %swap3A_29 = arith.constant 0 : index
    %swap3A_30 = vector.load %arg2[%swap3A, %swap3A_28, %swap3A_29] : memref<1x2704x20xf32, #tpu.memory_space<vmem>>, vector<1x2704x20xf32>
    %swap3A_31 = vector.shape_cast %swap3A_30 : vector<1x2704x20xf32> to vector<2704x20xf32>
    %swap3A_32 = vector.shape_cast %transpose3A : vector<2704x20xf32> to vector<1x2704x20xf32>
    tpu.vector_store %arg2[%swap3A, %swap3A_28, %swap3A_29], %swap3A_32 {strides = array<i32>} : memref<1x2704x20xf32, #tpu.memory_space<vmem>>, vector<1x2704x20xf32>,
    return
  }
  func.func @transform_0(%arg0: i32) -> (i32, i32, i32) {
    %c0_i32 = arith.constant 0 : i32
    %c0_i32_0 = arith.constant 0 : i32
    %c0_i32_1 = arith.constant 0 : i32
    return %arg0, %c0_i32, %c0_i32_0 : i32, i32, i32
  }
  func.func @transform_1(%arg0: i32) -> (i32, i32, i32) {
    %c0_i32 = arith.constant 0 : i32
    %c0_i32_0 = arith.constant 0 : i32
    %c0_i32_1 = arith.constant 0 : i32
    return %arg0, %c0_i32, %c0_i32_0 : i32, i32, i32
  }
}

</mosaic_0001>

<sc_bundles>
// kernel: sparse-core-data-format-call.cloned.1.call-start
scs
called_computation_lowered:
.L_overlay_start_0:
0x0: {  	s2 =	sld [smem:$0x3FD9]  }
0x1: {  	s3 =	sld [smem:$0x3FFE];
	_ =	sdelay $0x1  }
0x2: {  	s1 =	srdreg.scid  }
0x3: {  	s0 =	sand.u32 $0x1, s1  }
0x4: {  	s18 =	sshll.u32 s0, $0xA;
	s2 =	sadd.s32 s3, s2  }
0x5: {  	s2 =	sadd.s32 s2, s18  }
0x6: {  	[smem:$0x3FC7] =	sst s2  }
0x7: {  	_ = 	snop  }
0x8: {  	s2 =	sld [smem:$0x3FD0];
	(tm) =	ssettm $0x1  }
0x9: {  	s19 =	sld [smem:$0x3FFB];
	_ =	sdelay $0x3  }
0xa: {  	_ =	strace s19  }
0xb: {  	s3 =	sld [smem:$0x3FFC];
	_ =	sdelay $0x3  }
0xc: {  	_ =	strace s3  }
0xd: {  	s3 =	sld [smem:$0x3FFD];
	_ =	sdelay $0x3  }
0xe: {  	_ =	strace s3  }
0xf: {  	_ =	strace $0x8FFFFFFF  }
0x10: {  	s20 =	sld [smem:$0x3FDB];
	_ =	sdelay $0x1  }
0x11: {  	s4 =	simm.s32 $_scs_section_size  }
0x12: {  	s5 =	simm.s32 $_size__tile_overlayer_lowered;
	s6 =	simm.s32 $_tile_overlayer_lowered  }
0x13: {  	s23 =	simm.s32 $0x1BFF;
	s22 =	sshll.u32 s6, $0x1;
	s3 =	sadd.s32 s4, s20  }
0x14: {  	s7 =	simm.s32 $0x0;
	s21 =	sshll.u32 s5, $0x1;
	s5 =	sadd.s32 s22, s3  }
0x15: {  	[timem:s7], [sflag:s23] =	dma.local [hbm:s5], s21  }
0x16: {  	_ =	swait.ge [sflag:s23], s21  }
0x17: {  	s4 =	ssub.s32 $0x0, s21;
	[sflag:s23] =	ssyncset.done $0x0  }
0x18: {  	[sflag:s23] =	ssyncadd.s32 s4;
	_ =	sdelay $0x1  }
0x19: {  	s24 =	simm.s32 $0x1B8B  }
0x1a: {  	_ =	swait.ge [sflag:s24], $0x1  }
0x1b: {  	[sflag:s24] =	ssyncset.done $0x0  }
0x1c: {  	s26 =	simm.s32 $0x1B8E;
	s25 =	sld [smem:$0x3FFE];
	[sflag:s24] =	ssyncadd.s32 $0xFFFFFFFF  }
0x1d: {  	s27 =	simm.s32 $execute0_lowered;
	[smem:$0x3FD2] =	sst s26  }
0x1e: {  	s5 =	sshll.u32 s27, $0x1;
	_ =	strace $0x80000046;
	[dreg:$0x1] =	wrdreg $0xFFFFFFFF  }
0x1f: {  	s28 =	simm.s32 $_size_execute0_lowered;
	s3 =	sadd.s32 s3, s5;
	[dreg:$0x0] =	wrdreg $0x0  }
0x20: {  	s5 =	sshll.u32 s28, $0x1;
	[dreg:$0x2] =	wrdreg s3  }
0x21: {  	[dreg:$0x3] =	wrdreg s5  }
0x22: {  	[dreg:$0x4] =	wrdreg $0xC0  }
0x23: {  	_ =	task [dreg:s7], $0x5FFFF  }
0x24: {  	[dreg:$0x1] =	wrdreg $0xFFFFFFFF  }
0x25: {  	[dreg:$0x0] =	wrdreg $0x60  }
0x26: {  	[dreg:$0x2] =	wrdreg s25  }
0x27: {  	[dreg:$0x3] =	wrdreg s2  }
0x28: {  	[dreg:$0x4] =	wrdreg $0x9  }
0x29: {  	_ =	task.clear_ibuf [dreg:s7], $0x5FFFF;
	_ =	strace $0x90000046  }
0x2a: {  	s29 =	simm.s32 $0x9;
	_ =	strace $0x80000048  }
0x2b: {  	_ =	swait.ge [sflag:s29], $0x1  }
0x2c: {  	[sflag:s29] =	ssyncadd.s32 $0xFFFFFFFF  }
0x2d: {  	_ =	strace $0x90000048  }
0x2e: {  	_ =	sfence  }
0x2f: {  	s30 =	sld [smem:$0x0];
	_ =	sdelay $0x2  }
0x30: {  	s31 =	sshll.u32 s1, $0xD;
	s1 =	sshrl.u32 s1, $0x2  }
0x31: {  	s3 =	sand.u32 $0x4000, s31;
	s1 =	sadd.s32 s1, s30  }
0x32: {  	s0 =	sor.u32 s3, s0;
	s1 =	sshll.u32 s1, $0x11  }
0x33: {  	s0 =	sor.u32 s1, s0  }
0x34: {  	s0 =	sadd.s32 $0x8F2B, s0  }
0x35: {  	[sflag:s0] =	ssyncadd.remote.s32 $0x1  }
0x36: {  	_ =	sfence.sel $0xFFFF  }
0x37: {  	[dreg:$0x0] =	wrdreg $0xFFFFFFFF;
	(pc) =	sbr.abs _section_cstart, $3  }
0x38: {  	[dreg:$0x1] =	wrdreg $0xFFFFFFFF  }
0x39: {  	_ =	task.clear_ibuf [dreg:s7], $0x2FFFF;
	_ =	strace $0x9FFFFFFF  }
0x3a: {  	(tm) =	ssettm $0x7FFFFFFF  }
0x3b: {  	_ =	shalt  }
tec
execute0_lowered:
.L_overlay_start_1:
0x0: {  	(tag) =	ssettag $0x1  }
0x1: {  	s6 =	rddreg [dreg:$0x0]  }
0x2: {  	s0 =	srdreg.scid;
	s2 =	rddreg [dreg:$0x1];
	s4 =	simm.s32 $0x1  }
0x3: {  	s7 =	simm.s32 $0x2;
	s17 =	simm.s32 $0x0;
	p0 =	por $0x0, $0x0  }
0x4: {  	s8 =	simm.s32 $0xFD800;
	s18 =	simm.s32 $0x0;
	s1 =	sshll.u32 s0, $0x4  }
0x5: {  	s16 =	simm.s32 $0x0;
	s0 =	stileid.u32;
	s1 =	sand.u32 $0x10, s1  }
0x6: {  	s9 =	simm.s32 $0x0;
	s10 =	simm.s32 $0x0;
	s3 =	sor.u32 s0, s1  }
.Ltmp0:
0x7: {  	s11 =	simm.s32 $0x0;
	s5 =	ssub.s32 $0x1FCF, s3;
	(pc) =	sbr.rel .LBB1_1-.Ltmp0, $4  }
0x8: {  	s12 =	simm.s32 $0x0;
	s14 =	simm.s32 $0x0;
	s5 =	sshrl.u32 s5, $0x5  }
0x9: {  	s1 =	rddreg [dreg:$0x2];
	_ =	strace $0x80000047;
	s5 =	smul.u32 $0x3, s5  }
0xa: {  	s15 =	simm.s32 $0x0;
	s6 =	sadd.s32 $0x9A8400, s6;
	[sflag:s4] =	ssyncpa.u1 $0x0  }
0xb: {  	s13 =	smov.u32 s3;
	[sflag:s7] =	ssyncpa.u1 $0x0;
	s7 =	sadd.s32 $0x1, s5  }
.LBB1_4:
0xc: {  	s21 =	sshll.u32 s10, $0x7;
	s22 =	sshll.u32 s11, $0x3  }
0xd: {  	s23 =	sand.u32 $0xFFFFFC00, s21;
	s22 =	sand.u32 $0xFFFFFC00, s22  }
0xe: {  	s21 =	sand.u32 $0x380, s21;
	s22 =	sadd.s32 s22, s23  }
0xf: {  	s21 =	sor.u32 s21, s22  }
0x10: {  	s21 =	sshrl.u32 s21, $0x7  }
0x11: {  	s26 =	smulhi.u32 $0x102865, s21;
	_ =	sdelay $0x1  }
0x12: {  	p1 =	sgt.s32 s9, $0xC;
	s22 =	sshrl.u32 s26, $0x1  }
0x13: {  	p2 =	sgt.s32 s10, $0x1FAF;
	s27 =	sshra.s32 s10, $0x1F;
	s22 =	smul.u32 $0x1FB0, s22  }
0x14: {  	s24 =	smov.u32 s9;
	s25 =	sshra.s32 s9, $0x1F;
	s30 =	ssub.s32 $0x0, s11  }
0x15: {  	s24 =	simm.s32 @!p1 $0xC;
	s21 =	ssub.s32 s21, s22;
	s22 =	smov.u32 s10  }
0x16: {  	s25 =	sand.u32 s25, s9;
	s23 =	sand.u32 s27, s10;
	s22 =	simm.s32 @!p2 $0x1FAF  }
0x17: {  	s28 =	ssub.s32 s24, s25;
	s25 =	smin.u32 s11, s30;
	s22 =	ssub.s32 s22, s23  }
0x18: {  	s31 =	sadd.s32 $0xFFFFFFF4, s28;
	p2 =	sgt.s32 s25, $0x7F;
	s29 =	sadd.s32 $0xFFFFE051, s22  }
0x19: {  	s25 =	ssub.s32 $0x80, s25;
	s22 =	ssub.s32 $0x1FB0, s22;
	p1 =	sgt.s32 s29, $0x0  }
0x1a: {  	s26 =	sshrl.u32 s11, $0x3;
	s25 =	simm.s32 @p2 $0x0;
	s22 =	simm.s32 @p1 $0x0  }
0x1b: {  	s23 =	ssub.s32 $0x14, s28;
	p1 =	sgt.s32 s31, $0x7;
	s22 =	smul.u32 s25, s22  }
0x1c: {  	s27 =	smul.u32 $0x1FB00, s9;
	s24 =	sand.u32 $0xF, s26;
	s23 =	simm.s32 @p1 $0x0  }
0x1d: {  	s28 =	sadd.s32 s2, s24;
	s29 =	sand.u32 $0x7, s11;
	s22 =	smul.u32 s23, s22  }
0x1e: {  	s21 =	sshll.u32 s21, $0x4;
	s24 =	sshll.u32 s29, $0x12;
	s23 =	sadd.s32 s27, s28  }
0x1f: {  	[tilespmem:s20+$0x0 ss:$0x81] =	vst.msk $0xff, v0;
	s31 =	sor.u32 $0x80, s24;
	s21 =	sadd.s32 s21, s23;
	s30 =	sand.u32 $0x3FFFFFFF, s22  }
0x20: {  	[hbm4b:s21+s31] =	stream.strided.scatter [tilespmem:s19], [sflag:$0x2], s30, s8, s31, $0x20;
	[tilespmem:$0x1010] =	vst v63  }
.LBB1_5:
0x21: {  	p1 =	slt.u32 s15, $0x2;
	s19 =	smov.u32 s18;
	s21 =	smov.u32 s17  }
0x22: {  	p2 =	sgt.s32 @!p1 s17, $0xC;
	p3 =	sgt.s32 @!p1 s18, $0x1FAF;
	s20 =	sshra.s32 @!p1 s18, $0x1F  }
0x23: {  	p3 =	por !p3, p1;
	s18 =	sand.u32 @!p1 s20, s18;
	s20 =	sshra.s32 @!p1 s17, $0x1F  }
0x24: {  	p2 =	por !p2, p1;
	s19 =	simm.s32 @p3 $0x1FAF;
	s17 =	sand.u32 @!p1 s20, s17  }
0x25: {  	s21 =	simm.s32 @p2 $0xC;
	s20 =	ssub.s32 @!p1 $0x0, s16;
	s18 =	ssub.s32 @!p1 s19, s18  }
0x26: {  	s17 =	ssub.s32 @!p1 s21, s17;
	s16 =	smin.u32 @!p1 s16, s20;
	s19 =	sadd.s32 @!p1 $0xFFFFE051, s18  }
0x27: {  	s20 =	smov.u32 s13;
	s18 =	ssub.s32 @!p1 $0x1FB0, s18;
	p2 =	sgt.s32 @!p1 s19, $0x0  }
0x28: {  	p3 =	sgt.s32 @!p1 s16, $0x7F;
	s16 =	ssub.s32 @!p1 $0x80, s16;
	p2 =	por !p2, p1  }
0x29: {  	s19 =	sadd.s32 @!p1 $0xFFFFFFF4, s17;
	s18 =	simm.s32 @!p2 $0x0;
	p2 =	por !p3, p1  }
0x2a: {  	s17 =	ssub.s32 @!p1 $0x14, s17;
	p3 =	sgt.s32 @!p1 s19, $0x7;
	s16 =	simm.s32 @!p2 $0x0  }
0x2b: {  	s19 =	sadd.s32 $0x8, s12;
	p2 =	por !p3, p1;
	s16 =	smul.u32 @!p1 s16, s18  }
0x2c: {  	s17 =	simm.s32 @!p2 $0x0;
	p2 =	sgt.s32 s19, $0x13;
	s18 =	sadd.s32 $0x20, s13  }
0x2d: {  	s21 =	smov.u32 s14;
	s20 =	smov.u32 @p2 s18  }
0x2e: {  	s16 =	smul.u32 @!p1 s17, s16;
	p3 =	sgt.s32 s20, $0x1FAF;
	s17 =	sadd.s32 $0x80, s14  }
0x2f: {  	p0 =	por !p0, !p0;
	s22 =	simm.s32 @!p1 $0x2;
	s21 =	smov.u32 @p3 s17  }
0x30: {  	s19 =	simm.s32 @p2 $0x0;
	s18 =	smov.u32 s10;
	p2 =	sgt.s32 s21, $0x7F  }
0x31: {  	s10 =	smov.u32 s13;
	s21 =	simm.s32 @p2 $0x0;
	p2 =	sne.s32 s15, s7  }
.Ltmp1:
0x32: {  	s20 =	smov.u32 @p3 s3;
	s17 =	smov.u32 s9;
	(pc) =	sbr.rel @!p2 .LBB1_6-.Ltmp1, $4  }
0x33: {  	s9 =	smov.u32 s12;
	s12 =	smov.u32 s19;
	s16 =	sand.u32 @!p1 $0x3FFFFFFF, s16  }
0x34: {  	s13 =	smov.u32 s20;
	_ =	swait.ge @!p1 [sflag:s22], s16;
	s23 =	ssub.s32 @!p1 $0x0, s16  }
0x35: {  	s16 =	smov.u32 s11;
	s15 =	sadd.s32 $0x1, s15;
	[sflag:s22] =	ssyncset.done @!p1 $0x0  }
0x36: {  	s11 =	smov.u32 s14;
	s14 =	smov.u32 s21;
	[sflag:s22] =	ssyncadd.s32 @!p1 s23  }
.LBB1_1:
0x37: {  	p1 =	sge.u32 s15, s5  }
0x38: {  	s19 =	sshll.u32 @!p1 s13, $0x7;
	s20 =	sshll.u32 @!p1 s12, $0x3  }
0x39: {  	s21 =	sand.u32 @!p1 $0xFFFFFC00, s19;
	s20 =	sand.u32 @!p1 $0xFFFFFC00, s20  }
0x3a: {  	s19 =	sand.u32 @!p1 $0x380, s19;
	s20 =	sadd.s32 @!p1 s21, s20  }
0x3b: {  	s19 =	sor.u32 @!p1 s19, s20  }
0x3c: {  	s19 =	sshrl.u32 @!p1 s19, $0x7  }
0x3d: {  	s20 =	smulhi.u32 @!p1 $0x102865, s19;
	_ =	sdelay $0x1  }
0x3e: {  	s20 =	sshrl.u32 @!p1 s20, $0x1  }
0x3f: {  	s20 =	smul.u32 @!p1 $0x1FB0, s20  }
0x40: {  	s21 =	smul.u32 @!p1 $0x1FB00, s14  }
0x41: {  	s31 =	sadd.s32 $0xFFFFFFFF, s15;
	s19 =	ssub.s32 @!p1 s19, s20;
	s20 =	sshrl.u32 @!p1 s12, $0x3  }
0x42: {  	s22 =	sxor.u32 @!p1 $0xFFFFFFFF, s15;
	s21 =	sadd.s32 @!p1 s6, s21;
	s20 =	sand.u32 @!p1 $0xF, s20  }
0x43: {  	s22 =	sshll.u32 @!p1 s22, $0xA;
	s20 =	sadd.s32 @!p1 s20, s21;
	s21 =	sand.u32 @!p1 $0x7, s12  }
0x44: {  	s22 =	sand.u32 @!p1 $0x400, s22;
	s19 =	sshll.u32 @!p1 s19, $0x4;
	s21 =	sshll.u32 @!p1 s21, $0x12  }
0x45: {  	s19 =	sadd.s32 @!p1 s19, s20;
	s20 =	sor.u32 @!p1 $0x8, s21;
	s21 =	simm.s32 @!p1 $0xFD800  }
0x46: {  	[tilespmem:s22], [sflag:$0x1] =	stream.strided.gather @!p1 [hbm4b:s19+s20], $0x400, s21, s20, $0x38;
	[tilespmem:$0x1010] =	vst v63  }
0x47: {  	p1 =	sge.u32 s31, s5  }
.Ltmp2:
0x48: {  	_ = 	snop;
	(pc) =	sbr.rel @p1 .LBB1_5-.Ltmp2, $1  }
0x49: {  	_ =	sdelay $0x3  }
0x4a: {  	s19 =	simm.s32 $0x1  }
0x4b: {  	s19 =	simm.s32 @!p0 $0x0  }
0x4c: {  	s20 =	sshll.u32 s19, $0xA  }
0x4d: {  	v1 =	vmov s20;
	_ =	sdelay $0x1  }
0x4e: {  	_ =	swait.ge [sflag:s4], $0x400  }
0x4f: {  	s31 =	sand.u32 $0x1, s15;
	[sflag:s4] =	ssyncset.done $0x0  }
0x50: {  	s22 =	simm.s32 $0x0;
	s19 =	smul.u32 $0x1020, s19;
	[sflag:s4] =	ssyncadd.s32 $0xFFFFFC00  }
0x51: {  	s20 =	smul.u32 $0x1020, s31;
	v0 =	vld.idx.msk [tilespmem:v1+s22+$0x0 ss:$0x1], $0xff;
	_ =	sdelay $0x1  }
0x52: {  	s19 =	sshrl.u32 s19, $0x2;
	s21 =	sshrl.u32 s20, $0x2  }
0x53: {  	s20 =	sor.u32 $0x800, s19;
	s19 =	sor.u32 $0x800, s21;
	s21 =	simm.s32 $0x20  }
.LBB1_3:
0x54: {  	s22 =	sshra.s32 s21, $0x2;
	p1 =	sne.s32 s21, $0xFE0;
	s21 =	sadd.s32 $0x20, s21  }
.Ltmp3:
0x55: {  	[tilespmem:s20+$0x0 ss:$0x81] =	vst.msk $0xff, v0;
	v0 =	vld.idx.msk [tilespmem:v1+s22+$0x0 ss:$0x1], $0xff;
	(pc) =	sbr.rel @p1 .LBB1_3-.Ltmp3, $2  }
0x56: {  	_ =	sdelay $0x2  }
0x57: {  	s20 =	sadd.s32 $0x1, s20  }
.Ltmp4:
0x58: {  	_ = 	snop;
	(pc) =	sbr.rel .LBB1_4-.Ltmp4, $1  }
0x59: {  	_ =	sdelay $0x3  }
.LBB1_6:
0x5a: {  	_ =	sfence.sel $0x180000  }
0x5b: {  	s2 =	simm.s32 $0x1;
	[bflag:$0x0] =	sbarrier.arrive $0xFFFF  }
0x5c: {  	s31 =	simm.s32 $0x2;
	[sflag:s2] =	ssyncpa.u1 $0x1  }
0x5d: {  	[sflag:s31] =	ssyncpa.u1 $0x1  }
0x5e: {  	p0 =	sne.s32 s0, $0x0;
	_ =	strace $0x90000047  }
0x5f: {  	s0 =	sadd.s32 @!p0 $0x100000, s1;
	[bflag:$0x2] =	sbarrier.arrive $0xFFFF  }
0x60: {  	[sflag:s0] =	ssyncadd.tile.s32 @!p0 $0x1;
	_ =	shalt  }
.Lfunc_end1:
_tile_overlayer_lowered:
.L_overlay_start_2:
0x61: {  	(tag) =	ssettag $0x2  }
0x62: {  	s0 =	rddreg [dreg:$0x0];
	s2 =	stileid.u32  }
0x63: {  	s1 =	rddreg [dreg:$0x1];
	p0 =	sne.s32 s2, $0x0  }
0x64: {  	s3 =	rddreg [dreg:$0x2];
	[bflag:$0x3] =	sbarrier.arrive $0xFFFF;
	s2 =	simm.s32 @!p0 $0x1C01  }
0x65: {  	[timem:s3], [sflag:s2] =	dma.local @!p0 [hbm:s0], s1  }
0x66: {  	s0 =	simm.s32 @!p0 $0x1  }
0x67: {  	_ =	swait.ge @!p0 [sflag:s0], s1  }
0x68: {  	s1 =	ssub.s32 @!p0 $0x0, s1;
	[sflag:s0] =	ssyncset.done @!p0 $0x0  }
0x69: {  	[sflag:s0] =	ssyncadd.s32 @!p0 s1  }
0x6a: {  	[bflag:$0x3] =	sbarrier.arrive $0xFFFF  }
0x6b: {  	_ =	shalt  }

</sc_bundles>
